<compile_context>
chip_gen: v7x
topology: tpu7x:2x2x1
jax: 0.10.2.dev20260603
libtpu: 0.0.44.dev20260713+nightly
codegen_flags: <defaults>
</compile_context>

<pallas_src>
import functools

import jax
import jax.numpy as jnp
from jax import lax
from jax.experimental import pallas as pl
from jax.experimental.pallas import tpu as pltpu
from jax.experimental.pallas import tpu_sc as plsc

B = 16384
D = 128
BK = 4096
NB = B // BK

_ROW = 128


def _sc_gather(idx, table):
    info = plsc.get_sparse_core_info()
    nc, ns = info.num_cores, info.num_subcores
    nw = nc * ns
    b_per_w = B // nw
    n_chunks = b_per_w // _ROW

    mesh = plsc.VectorSubcoreMesh(core_axis_name="c", subcore_axis_name="s")

    @functools.partial(
        pl.kernel,
        mesh=mesh,
        out_type=jax.ShapeDtypeStruct((B,), jnp.float32),
        scratch_types=[
            pltpu.VMEM((b_per_w,), jnp.int32),
            pltpu.VMEM((b_per_w,), jnp.float32),
            pltpu.SemaphoreType.DMA,
        ],
    )
    def body(idx_hbm, table_hbm, out_hbm, idx_v, vals_v, sem):
        wid = lax.axis_index("s") * nc + lax.axis_index("c")
        base = wid * b_per_w
        pltpu.sync_copy(idx_hbm.at[pl.ds(base, b_per_w)], idx_v)
        copies = [
            pltpu.async_copy(
                table_hbm.at[idx_v.at[pl.ds(j * _ROW, _ROW)]],
                vals_v.at[pl.ds(j * _ROW, _ROW)],
                sem,
            )
            for j in range(n_chunks)
        ]
        for c in copies:
            c.wait()
        pltpu.sync_copy(vals_v, out_hbm.at[pl.ds(base, b_per_w)])

    return body(idx, table)


def _tc_sqerr(data, target, W):

    def body(data_ref, tgt_ref, w_ref, e_ref):
        pred = lax.dot_general(
            w_ref[...], data_ref[...],
            dimension_numbers=(((1,), (1,)), ((), ())),
            preferred_element_type=jnp.float32,
        )
        dlt = pred.reshape(BK) - tgt_ref[...]
        e_ref[...] = dlt * dlt

    return pl.pallas_call(
        body,
        grid=(NB,),
        in_specs=[
            pl.BlockSpec((BK, D), lambda i: (i, 0)),
            pl.BlockSpec((BK,), lambda i: (i,)),
            pl.BlockSpec((1, D), lambda i: (0, 0)),
        ],
        out_specs=pl.BlockSpec((BK,), lambda i: (i,)),
        out_shape=jax.ShapeDtypeStruct((B,), jnp.float32),
    )(data, target, W.reshape(1, D))


def _tc_combine(e1, g1):

    def body(e_ref, g_ref, out_ref):
        wts = 2.0 / (1.0 + jnp.exp(-g_ref[...]))
        out_ref[...] = (jnp.sum(wts * e_ref[...]) * (1.0 / B)).reshape(1, 1)

    out = pl.pallas_call(
        body,
        out_shape=jax.ShapeDtypeStruct((1, 1), jnp.float32),
    )(e1, g1)
    return out[0, 0]


def kernel(data, target, indices, W, outer_param):
    g1 = _sc_gather(indices, outer_param)
    e1 = _tc_sqerr(data, target, W)
    return _tc_combine(e1, g1)

# --- scband reference (transcript-rebuilt; emitter-appended) ---
"""Pipeline reference for scband-hyper-instance-loss-weight-47356309406298 (READ-ONLY COPY).

The authoritative reference and input builder live on the scoring server;
editing this copy changes nothing except your own understanding.
"""

import jax, jax.numpy as jnp
import numpy as np

N_TRAIN = 1000000
B = 16384
D = 128

def setup_inputs(seed: int = 0) -> dict:
    key = jax.random.key(seed)
    k1, k2, k3, k4 = jax.random.split(key, 4)
    data = jax.random.normal(k1, (B, D), dtype=jnp.float32)
    target = jax.random.normal(k2, (B,), dtype=jnp.float32)
    indices = jax.random.randint(k3, (B,), 0, N_TRAIN, dtype=jnp.int32)
    # Wrapped model: simple linear regressor with weight W [D, 1].
    # model.loss(data, target, loss_weights) = mean(loss_weights * (data @ W - target)**2)
    W = jax.random.normal(k4, (D, 1), dtype=jnp.float32) * 0.02
    # activation == 'sigmoid' -> outer_param initialized to zeros of size n_train
    outer_param = jnp.zeros((N_TRAIN,), dtype=jnp.float32)
    return {"data": data, "target": target, "indices": indices, "W": W, "outer_param": outer_param}


def reference(data, target, indices, W, outer_param):
    # inner_loss with activation='sigmoid':
    # loss_weights = sigmoid(outer_param[indices]) * 2  (embedding-style gather from the n_train table)
    gathered = jnp.take(outer_param, indices, axis=0)
    loss_weights = jax.nn.sigmoid(gathered) * 2.0
    # model.loss(data, target, loss_weights): weighted per-instance MSE of linear model
    pred = jnp.matmul(data, W)[:, 0]
    per_example = (pred - target) ** 2
    loss = jnp.mean(loss_weights * per_example)
    return loss

if __name__ == "__main__":
    import jax
    _d = setup_inputs()
    print(jax.jit(kernel)(*tuple(_d.values())))

</pallas_src>

<mosaic_0001>
#map = affine_map<(d0, d1) -> (0)>
module attributes {stable_mosaic.version = 14 : i64} {
  func.func @body(%arg0: i32, %arg1: i32, %arg2: memref<16384xi32, #tpu.memory_space<hbm>>, %arg3: memref<1000000xf32, #tpu.memory_space<hbm>>, %arg4: memref<16384xf32, #tpu.memory_space<hbm>>, %arg5: memref<512xi32, #tpu.memory_space<vmem>>, %arg6: memref<512xf32, #tpu.memory_space<vmem>>, %arg7: memref<!tpu.dma_semaphore, #tpu.memory_space<semaphore_mem>>) attributes {dimension_semantics = [#tpu.dimension_semantics<core_parallel>, #tpu.dimension_semantics<subcore_parallel>], iteration_bounds = array<i64: 2, 16>, scalar_prefetch = 0 : i64, scratch_operands = 3 : i64, tpu.core_type = #tpu.core_type<sc_vector_subcore>, window_params = [{transform_indices = #map}, {transform_indices = #map}, {transform_indices = #map}]} {
    %mul3A = arith.constant 2 : i32
    %mul3A_0 = arith.muli %arg1, %mul3A : i32
    %add3A = arith.addi %mul3A_0, %arg0 : i32
    %mul3A_1 = arith.constant 512 : i32
    %mul3A_2 = arith.muli %add3A, %mul3A_1 : i32
    "tpu.region"() ({
      %run_scoped3A = tpu.sem_alloc : memref<!tpu.dma_semaphore, #tpu.memory_space<semaphore_mem>>
      %dma_start3A_49 = tpu.memref_slice %arg2[%mul3A_2] : memref<16384xi32, #tpu.memory_space<hbm>> -> memref<512xi32, #tpu.memory_space<hbm>>
      %dma_start3A_50 = tpu.memref_slice %arg2[%mul3A_2] : memref<16384xi32, #tpu.memory_space<hbm>> -> memref<512xi32, #tpu.memory_space<hbm>>
      tpu.enqueue_dma source(%dma_start3A_50 : memref<512xi32, #tpu.memory_space<hbm>>) target(%arg5 : memref<512xi32, #tpu.memory_space<vmem>>) target_semaphore(%run_scoped3A : memref<!tpu.dma_semaphore, #tpu.memory_space<semaphore_mem>>)
      %dma_wait3A_51 = tpu.memref_slice %arg2[%mul3A_2] : memref<16384xi32, #tpu.memory_space<hbm>> -> memref<512xi32, #tpu.memory_space<hbm>>
      %dma_wait3A_52 = tpu.memref_slice %arg2[%mul3A_2] : memref<16384xi32, #tpu.memory_space<hbm>> -> memref<512xi32, #tpu.memory_space<hbm>>
      tpu.wait_dma2 semaphore(%run_scoped3A : memref<!tpu.dma_semaphore, #tpu.memory_space<semaphore_mem>>) src(%dma_wait3A_52 : memref<512xi32, #tpu.memory_space<hbm>>) dst(%arg5 : memref<512xi32, #tpu.memory_space<vmem>>)
      tpu.yield
    }) : () -> ()
    %dma_start3A = arith.constant 0 : i32
    %dma_start3A_3 = tpu.memref_slice %arg6[%dma_start3A] : memref<512xf32, #tpu.memory_space<vmem>> -> memref<128xf32, #tpu.memory_space<vmem>>
    %dma_start3A_4 = arith.constant 0 : i32
    %dma_start3A_5 = tpu.memref_slice %arg5[%dma_start3A_4] : memref<512xi32, #tpu.memory_space<vmem>> -> memref<128xi32, #tpu.memory_space<vmem>>
    %dma_start3A_6 = arith.constant 0 : i32
    %dma_start3A_7 = tpu.memref_slice %arg3[%dma_start3A_6] : memref<1000000xf32, #tpu.memory_space<hbm>> -> memref<1000000xf32, #tpu.memory_space<hbm>>
    tpu.enqueue_indirect_dma source(%dma_start3A_7 : memref<1000000xf32, #tpu.memory_space<hbm>>) target(%dma_start3A_3 : memref<128xf32, #tpu.memory_space<vmem>>) offsets(%dma_start3A_5 : memref<128xi32, #tpu.memory_space<vmem>>) semaphore(%arg7 : memref<!tpu.dma_semaphore, #tpu.memory_space<semaphore_mem>>)
    %dma_start3A_8 = arith.constant 128 : i32
    %dma_start3A_9 = tpu.memref_slice %arg6[%dma_start3A_8] : memref<512xf32, #tpu.memory_space<vmem>> -> memref<128xf32, #tpu.memory_space<vmem>>
    %dma_start3A_10 = arith.constant 128 : i32
    %dma_start3A_11 = tpu.memref_slice %arg5[%dma_start3A_10] : memref<512xi32, #tpu.memory_space<vmem>> -> memref<128xi32, #tpu.memory_space<vmem>>
    %dma_start3A_12 = arith.constant 0 : i32
    %dma_start3A_13 = tpu.memref_slice %arg3[%dma_start3A_12] : memref<1000000xf32, #tpu.memory_space<hbm>> -> memref<1000000xf32, #tpu.memory_space<hbm>>
    tpu.enqueue_indirect_dma source(%dma_start3A_13 : memref<1000000xf32, #tpu.memory_space<hbm>>) target(%dma_start3A_9 : memref<128xf32, #tpu.memory_space<vmem>>) offsets(%dma_start3A_11 : memref<128xi32, #tpu.memory_space<vmem>>) semaphore(%arg7 : memref<!tpu.dma_semaphore, #tpu.memory_space<semaphore_mem>>)
    %dma_start3A_14 = arith.constant 256 : i32
    %dma_start3A_15 = tpu.memref_slice %arg6[%dma_start3A_14] : memref<512xf32, #tpu.memory_space<vmem>> -> memref<128xf32, #tpu.memory_space<vmem>>
    %dma_start3A_16 = arith.constant 256 : i32
    %dma_start3A_17 = tpu.memref_slice %arg5[%dma_start3A_16] : memref<512xi32, #tpu.memory_space<vmem>> -> memref<128xi32, #tpu.memory_space<vmem>>
    %dma_start3A_18 = arith.constant 0 : i32
    %dma_start3A_19 = tpu.memref_slice %arg3[%dma_start3A_18] : memref<1000000xf32, #tpu.memory_space<hbm>> -> memref<1000000xf32, #tpu.memory_space<hbm>>
    tpu.enqueue_indirect_dma source(%dma_start3A_19 : memref<1000000xf32, #tpu.memory_space<hbm>>) target(%dma_start3A_15 : memref<128xf32, #tpu.memory_space<vmem>>) offsets(%dma_start3A_17 : memref<128xi32, #tpu.memory_space<vmem>>) semaphore(%arg7 : memref<!tpu.dma_semaphore, #tpu.memory_space<semaphore_mem>>)
    %dma_start3A_20 = arith.constant 384 : i32
    %dma_start3A_21 = tpu.memref_slice %arg6[%dma_start3A_20] : memref<512xf32, #tpu.memory_space<vmem>> -> memref<128xf32, #tpu.memory_space<vmem>>
    %dma_start3A_22 = arith.constant 384 : i32
    %dma_start3A_23 = tpu.memref_slice %arg5[%dma_start3A_22] : memref<512xi32, #tpu.memory_space<vmem>> -> memref<128xi32, #tpu.memory_space<vmem>>
    %dma_start3A_24 = arith.constant 0 : i32
    %dma_start3A_25 = tpu.memref_slice %arg3[%dma_start3A_24] : memref<1000000xf32, #tpu.memory_space<hbm>> -> memref<1000000xf32, #tpu.memory_space<hbm>>
    tpu.enqueue_indirect_dma source(%dma_start3A_25 : memref<1000000xf32, #tpu.memory_space<hbm>>) target(%dma_start3A_21 : memref<128xf32, #tpu.memory_space<vmem>>) offsets(%dma_start3A_23 : memref<128xi32, #tpu.memory_space<vmem>>) semaphore(%arg7 : memref<!tpu.dma_semaphore, #tpu.memory_space<semaphore_mem>>)
    %dma_wait3A = arith.constant 0 : i32
    %dma_wait3A_26 = tpu.memref_slice %arg6[%dma_wait3A] : memref<512xf32, #tpu.memory_space<vmem>> -> memref<128xf32, #tpu.memory_space<vmem>>
    %dma_wait3A_27 = arith.constant 0 : i32
    %dma_wait3A_28 = tpu.memref_slice %arg5[%dma_wait3A_27] : memref<512xi32, #tpu.memory_space<vmem>> -> memref<128xi32, #tpu.memory_space<vmem>>
    %dma_wait3A_29 = arith.constant 0 : i32
    %dma_wait3A_30 = tpu.memref_slice %arg3[%dma_wait3A_29] : memref<1000000xf32, #tpu.memory_space<hbm>> -> memref<1000000xf32, #tpu.memory_space<hbm>>
    tpu.wait_indirect_dma semaphore(%arg7 : memref<!tpu.dma_semaphore, #tpu.memory_space<semaphore_mem>>) src(%dma_wait3A_30 : memref<1000000xf32, #tpu.memory_space<hbm>>) dst(%dma_wait3A_26 : memref<128xf32, #tpu.memory_space<vmem>>)
    %dma_wait3A_31 = arith.constant 128 : i32
    %dma_wait3A_32 = tpu.memref_slice %arg6[%dma_wait3A_31] : memref<512xf32, #tpu.memory_space<vmem>> -> memref<128xf32, #tpu.memory_space<vmem>>
    %dma_wait3A_33 = arith.constant 128 : i32
    %dma_wait3A_34 = tpu.memref_slice %arg5[%dma_wait3A_33] : memref<512xi32, #tpu.memory_space<vmem>> -> memref<128xi32, #tpu.memory_space<vmem>>
    %dma_wait3A_35 = arith.constant 0 : i32
    %dma_wait3A_36 = tpu.memref_slice %arg3[%dma_wait3A_35] : memref<1000000xf32, #tpu.memory_space<hbm>> -> memref<1000000xf32, #tpu.memory_space<hbm>>
    tpu.wait_indirect_dma semaphore(%arg7 : memref<!tpu.dma_semaphore, #tpu.memory_space<semaphore_mem>>) src(%dma_wait3A_36 : memref<1000000xf32, #tpu.memory_space<hbm>>) dst(%dma_wait3A_32 : memref<128xf32, #tpu.memory_space<vmem>>)
    %dma_wait3A_37 = arith.constant 256 : i32
    %dma_wait3A_38 = tpu.memref_slice %arg6[%dma_wait3A_37] : memref<512xf32, #tpu.memory_space<vmem>> -> memref<128xf32, #tpu.memory_space<vmem>>
    %dma_wait3A_39 = arith.constant 256 : i32
    %dma_wait3A_40 = tpu.memref_slice %arg5[%dma_wait3A_39] : memref<512xi32, #tpu.memory_space<vmem>> -> memref<128xi32, #tpu.memory_space<vmem>>
    %dma_wait3A_41 = arith.constant 0 : i32
    %dma_wait3A_42 = tpu.memref_slice %arg3[%dma_wait3A_41] : memref<1000000xf32, #tpu.memory_space<hbm>> -> memref<1000000xf32, #tpu.memory_space<hbm>>
    tpu.wait_indirect_dma semaphore(%arg7 : memref<!tpu.dma_semaphore, #tpu.memory_space<semaphore_mem>>) src(%dma_wait3A_42 : memref<1000000xf32, #tpu.memory_space<hbm>>) dst(%dma_wait3A_38 : memref<128xf32, #tpu.memory_space<vmem>>)
    %dma_wait3A_43 = arith.constant 384 : i32
    %dma_wait3A_44 = tpu.memref_slice %arg6[%dma_wait3A_43] : memref<512xf32, #tpu.memory_space<vmem>> -> memref<128xf32, #tpu.memory_space<vmem>>
    %dma_wait3A_45 = arith.constant 384 : i32
    %dma_wait3A_46 = tpu.memref_slice %arg5[%dma_wait3A_45] : memref<512xi32, #tpu.memory_space<vmem>> -> memref<128xi32, #tpu.memory_space<vmem>>
    %dma_wait3A_47 = arith.constant 0 : i32
    %dma_wait3A_48 = tpu.memref_slice %arg3[%dma_wait3A_47] : memref<1000000xf32, #tpu.memory_space<hbm>> -> memref<1000000xf32, #tpu.memory_space<hbm>>
    tpu.wait_indirect_dma semaphore(%arg7 : memref<!tpu.dma_semaphore, #tpu.memory_space<semaphore_mem>>) src(%dma_wait3A_48 : memref<1000000xf32, #tpu.memory_space<hbm>>) dst(%dma_wait3A_44 : memref<128xf32, #tpu.memory_space<vmem>>)
    "tpu.region"() ({
      %run_scoped3A = tpu.sem_alloc : memref<!tpu.dma_semaphore, #tpu.memory_space<semaphore_mem>>
      %dma_start3A_49 = tpu.memref_slice %arg4[%mul3A_2] : memref<16384xf32, #tpu.memory_space<hbm>> -> memref<512xf32, #tpu.memory_space<hbm>>
      %dma_start3A_50 = tpu.memref_slice %arg4[%mul3A_2] : memref<16384xf32, #tpu.memory_space<hbm>> -> memref<512xf32, #tpu.memory_space<hbm>>
      tpu.enqueue_dma source(%arg6 : memref<512xf32, #tpu.memory_space<vmem>>) target(%dma_start3A_50 : memref<512xf32, #tpu.memory_space<hbm>>) target_semaphore(%run_scoped3A : memref<!tpu.dma_semaphore, #tpu.memory_space<semaphore_mem>>)
      %dma_wait3A_51 = tpu.memref_slice %arg4[%mul3A_2] : memref<16384xf32, #tpu.memory_space<hbm>> -> memref<512xf32, #tpu.memory_space<hbm>>
      %dma_wait3A_52 = tpu.memref_slice %arg4[%mul3A_2] : memref<16384xf32, #tpu.memory_space<hbm>> -> memref<512xf32, #tpu.memory_space<hbm>>
      tpu.wait_dma2 semaphore(%run_scoped3A : memref<!tpu.dma_semaphore, #tpu.memory_space<semaphore_mem>>) src(%arg6 : memref<512xf32, #tpu.memory_space<vmem>>) dst(%dma_wait3A_52 : memref<512xf32, #tpu.memory_space<hbm>>)
      tpu.yield
    }) : () -> ()
    return
  }
}

module attributes {stable_mosaic.version = 14 : i64} {
  func.func @body(%arg0: i32, %arg1: memref<4096x128xf32, #tpu.memory_space<vmem>>, %arg2: memref<4096xf32, #tpu.memory_space<vmem>>, %arg3: memref<1x128xf32, #tpu.memory_space<vmem>>, %arg4: memref<4096xf32, #tpu.memory_space<vmem>>) attributes {dimension_semantics = [#tpu.dimension_semantics<arbitrary>], iteration_bounds = array<i64: 4>, scalar_prefetch = 0 : i64, scratch_operands = 0 : i64, tpu.core_type = #tpu.core_type<tc>, window_params = [{transform_indices = @transform_0, window_bounds = array<i64: 4096, 128>}, {transform_indices = @transform_1, window_bounds = array<i64: 4096>}, {pipeline_mode = #tpu.pipeline_mode<synchronous>, transform_indices = @transform_2, window_bounds = array<i64: 1, 128>}, {transform_indices = @transform_3, window_bounds = array<i64: 4096>}]} {
    %get3A = arith.constant 0 : index
    %get3A_0 = arith.constant 0 : index
    %get3A_1 = vector.load %arg3[%get3A, %get3A_0] : memref<1x128xf32, #tpu.memory_space<vmem>>, vector<1x128xf32>
    %get3A_2 = arith.constant 0 : index
    %get3A_3 = arith.constant 0 : index
    %get3A_4 = vector.load %arg1[%get3A_2, %get3A_3] : memref<4096x128xf32, #tpu.memory_space<vmem>>, vector<4096x128xf32>
    %dot_general3A = arith.constant dense<0.000000e+00> : vector<1x4096xf32>
    %dot_general3A_5 = tpu.matmul %get3A_1, %get3A_4, %dot_general3A {dimension_numbers = #tpu.dot_dimension_numbers<[1], [1], [0], [0], [0, 0, 1, 0], [], []>, transpose_lhs_hint = false} : vector<1x128xf32>, vector<4096x128xf32>, vector<1x4096xf32> -> vector<1x4096xf32>
    %reshape3A = vector.shape_cast %dot_general3A_5 : vector<1x4096xf32> to vector<4096xf32>
    %get3A_6 = arith.constant 0 : index
    %get3A_7 = vector.load %arg2[%get3A_6] : memref<4096xf32, #tpu.memory_space<vmem>>, vector<4096xf32>
    %sub3A = arith.subf %reshape3A, %get3A_7 : vector<4096xf32>
    %mul3A = arith.mulf %sub3A, %sub3A : vector<4096xf32>
    %swap3A = arith.constant 0 : index
    %swap3A_8 = vector.load %arg4[%swap3A] : memref<4096xf32, #tpu.memory_space<vmem>>, vector<4096xf32>
    tpu.vector_store %arg4[%swap3A], %mul3A {strides = array<i32>} : memref<4096xf32, #tpu.memory_space<vmem>>, vector<4096xf32>,
    return
  }
  func.func @transform_0(%arg0: i32) -> (i32, i32) {
    %c0_i32 = arith.constant 0 : i32
    %c0_i32_0 = arith.constant 0 : i32
    return %arg0, %c0_i32 : i32, i32
  }
  func.func @transform_1(%arg0: i32) -> i32 {
    %c0_i32 = arith.constant 0 : i32
    return %arg0 : i32
  }
  func.func @transform_2(%arg0: i32) -> (i32, i32) {
    %c0_i32 = arith.constant 0 : i32
    %c0_i32_0 = arith.constant 0 : i32
    %c0_i32_1 = arith.constant 0 : i32
    return %c0_i32, %c0_i32_0 : i32, i32
  }
  func.func @transform_3(%arg0: i32) -> i32 {
    %c0_i32 = arith.constant 0 : i32
    return %arg0 : i32
  }
}

module attributes {stable_mosaic.version = 14 : i64} {
  func.func @body(%arg0: memref<16384xf32, #tpu.memory_space<vmem>>, %arg1: memref<16384xf32, #tpu.memory_space<vmem>>, %arg2: memref<1x1xf32, #tpu.memory_space<vmem>>) attributes {dimension_semantics = [], scalar_prefetch = 0 : i64, scratch_operands = 0 : i64, tpu.core_type = #tpu.core_type<tc>} {
    %get3A = arith.constant 0 : index
    %get3A_0 = vector.load %arg1[%get3A] : memref<16384xf32, #tpu.memory_space<vmem>>, vector<16384xf32>
    %neg3A = arith.constant 0.000000e+00 : f32
    %neg3A_1 = vector.broadcast %neg3A : f32 to vector<16384xf32>
    %neg3A_2 = arith.subf %neg3A_1, %get3A_0 : vector<16384xf32>
    %exp3A = math.exp %neg3A_2 : vector<16384xf32>
    %add3A = arith.constant 1.000000e+00 : f32
    %add3A_3 = vector.broadcast %add3A : f32 to vector<16384xf32>
    %add3A_4 = arith.addf %add3A_3, %exp3A : vector<16384xf32>
    %div3A = arith.constant 2.000000e+00 : f32
    %div3A_5 = vector.broadcast %div3A : f32 to vector<16384xf32>
    %div3A_6 = arith.divf %div3A_5, %add3A_4 : vector<16384xf32>
    %get3A_7 = arith.constant 0 : index
    %get3A_8 = vector.load %arg0[%get3A_7] : memref<16384xf32, #tpu.memory_space<vmem>>, vector<16384xf32>
    %mul3A = arith.mulf %div3A_6, %get3A_8 : vector<16384xf32>
    %reduce_sum3A = vector.shape_cast %mul3A : vector<16384xf32> to vector<1x16384xf32>
    %reduce_sum3A_9 = arith.constant dense<0.000000e+00> : vector<1xf32>
    %reduce_sum3A_10 = vector.multi_reduction <add>, %reduce_sum3A, %reduce_sum3A_9 [1] : vector<1x16384xf32> to vector<1xf32>
    %reduce_sum3A_11 = vector.shape_cast %reduce_sum3A_10 : vector<1xf32> to vector<1x1xf32>
    %reduce_sum3A_12 = vector.extract %reduce_sum3A_11[0, 0] : f32 from vector<1x1xf32>
    %mul3A_13 = arith.constant 6.10351563E-5 : f32
    %mul3A_14 = arith.mulf %reduce_sum3A_12, %mul3A_13 : f32
    %reshape3A = vector.broadcast %mul3A_14 : f32 to vector<1x1xf32>
    %swap3A = arith.constant 0 : index
    %swap3A_15 = arith.constant 0 : index
    %swap3A_16 = vector.load %arg2[%swap3A, %swap3A_15] : memref<1x1xf32, #tpu.memory_space<vmem>>, vector<1x1xf32>
    tpu.vector_store %arg2[%swap3A, %swap3A_15], %reshape3A {strides = array<i32>} : memref<1x1xf32, #tpu.memory_space<vmem>>, vector<1x1xf32>,
    return
  }
}

</mosaic_0001>

<sc_bundles>
// kernel: kernel.5.cloned.1.call-start
scs
__scs_entry_jumppad:
0x0: {  	(pc) =	sbr.rel $0x88, $3  }
0x1: {  	(tag) =	ssettag $0x0;
	lr =	simm.s32 $0x1  }
0x2: {  	[smem:$0x3F9C] =	sst lr;
	_ =	strace $0xD0000000  }
0x3: {  	_ = 	snop  }
0x4: {  	_ = 	snop  }
0x5: {  	_ = 	snop  }
0x6: {  	_ = 	snop  }
0x7: {  	_ = 	snop  }
__scs_overlays_trampoline_lowered:
0x8: {  	[smem:$0x3FAB] =	sst s0  }
0x9: {  	[smem:$0x3FAC] =	sst s1  }
0xa: {  	[smem:$0x3FAD] =	sst s2  }
0xb: {  	[smem:$0x3FAE] =	sst s3  }
0xc: {  	[smem:$0x3FAF] =	sst s4  }
0xd: {  	[smem:$0x3FB0] =	sst s5  }
0xe: {  	[smem:$0x3FB1] =	sst s6  }
0xf: {  	[smem:$0x3FB2] =	sst s7  }
0x10: {  	[smem:$0x3FB3] =	sst s8  }
0x11: {  	[smem:$0x3FB4] =	sst s9;
	s0 =	simm.s32 @!p0 $0x0  }
0x12: {  	s1 =	sld [smem:$0x3F9A];
	s0 =	simm.s32 @p0 $0x1  }
0x13: {  	[smem:$0x3FB5] =	sst s0;
	s0 =	simm.s32 @!p1 $0x0  }
0x14: {  	s2 =	sld [smem:$0x3F99];
	s0 =	simm.s32 @p1 $0x1  }
0x15: {  	[smem:$0x3FB6] =	sst s0;
	s0 =	simm.s32 @!p2 $0x0  }
0x16: {  	s3 =	sld [smem:$0x3FDB];
	s0 =	simm.s32 @p2 $0x1  }
0x17: {  	s4 =	simm.s32 $0x1BF5;
	[smem:$0x3FB8] =	sst s0  }
0x18: {  	s0 =	sld [smem:$0x3F9B];
	_ =	swait.ge [sflag:s4], $0x0  }
0x19: {  	s7 =	sld [smem:$0x3F9C]  }
0x1a: {  	s8 =	sadd.s32 $0xFFFFE003, lr  }
0x1b: {  	s9 =	sadd.s32 $0xFFFFFEF7, lr;
	s5 =	simm.s32 $0xFFFFFFFF;
	p2 =	slt.u32 s8, $0xFFFFF086  }
0x1c: {  	p1 =	slt.u32 s9, $0xF7A;
	s5 =	simm.s32 @!p2 $0x0  }
0x1d: {  	s5 =	simm.s32 @p1 $0x1;
	p0 =	seq.s32 s7, s2  }
0x1e: {  	s7 =	smul.u32 @!p0 $0xF7A, s2;
	p2 =	seq.s32 @!p0 s5, $0x0  }
0x1f: {  	s9 =	smul.u32 $0xF7A, s1;
	s8 =	simm.s32 @!p0 $0x1BF5;
	p2 =	por !p2, p0  }
0x20: {  	[sflag:s8] =	ssyncset.s32 @!p0 $0xFFFFF086;
	s6 =	sadd.s32 @!p0 s3, s7;
	s7 =	simm.s32 @!p0 $0x108  }
0x21: {  	s3 =	sadd.s32 s3, s9;
	s6 =	sadd.s32 @!p0 $0x88, s6;
	s7 =	simm.s32 @p2 $0x1082  }
0x22: {  	[simem:s7], [sflag:s8] =	dma.local @!p0 [hbm:s6], $0xF7A  }
0x23: {  	s9 =	sor.u32 $0xD0000000, s2;
	s6 =	simm.s32 $0x108;
	_ =	swait.ge @!p0 [sflag:s8], $0x0  }
0x24: {  	s3 =	sadd.s32 $0x88, s3;
	s6 =	simm.s32 @!p1 $0x1082;
	[sflag:s4] =	ssyncset.s32 $0xFFFFF086  }
0x25: {  	[simem:s6], [sflag:s4] =	dma.local [hbm:s3], $0xF7A  }
0x26: {  	[smem:$0x3F9C] =	sst s1;
	(tag) =	ssettag s2;
	_ =	strace s9  }
0x27: {  	s1 =	sld [smem:$0x3FAC]  }
0x28: {  	s2 =	sld [smem:$0x3FAD]  }
0x29: {  	s4 =	sld [smem:$0x3FAF]  }
0x2a: {  	p0 =	seq.s32 s5, $0x0;
	s5 =	sld [smem:$0x3FB0]  }
0x2b: {  	s6 =	sld [smem:$0x3FB1]  }
0x2c: {  	s7 =	sld [smem:$0x3FB2]  }
0x2d: {  	s3 =	simm.s32 $0x108;
	s8 =	sld [smem:$0x3FB3]  }
0x2e: {  	s3 =	simm.s32 @!p0 $0x1082;
	s9 =	sld [smem:$0x3FB4]  }
0x2f: {  	lr =	sadd.s32 s0, s3;
	s0 =	sld [smem:$0x3FAB]  }
0x30: {  	s3 =	sld [smem:$0x3FAE]  }
0x31: {  	[smem:$0x3FB7] =	sst s10  }
0x32: {  	s10 =	sld [smem:$0x3FB5];
	_ =	sdelay $0x3  }
0x33: {  	p0 =	seq.s32 s10, $0x1;
	s10 =	sld [smem:$0x3FB7];
	_ =	sdelay $0x3  }
0x34: {  	[smem:$0x3FB7] =	sst s10  }
0x35: {  	s10 =	sld [smem:$0x3FB6];
	_ =	sdelay $0x3  }
0x36: {  	p1 =	seq.s32 s10, $0x1;
	s10 =	sld [smem:$0x3FB7];
	_ =	sdelay $0x3  }
0x37: {  	[smem:$0x3FB7] =	sst s10  }
0x38: {  	s10 =	sld [smem:$0x3FB8]  }
0x39: {  	_ = 	snop;
	(pc) =	sbr.ind lr, $3  }
0x3a: {  	_ = 	snop  }
0x3b: {  	_ = 	snop  }
0x3c: {  	p2 =	seq.s32 s10, $0x1;
	s10 =	sld [smem:$0x3FB7]  }
0x3d: {  	_ =	shalt  }
0x3e: {  	_ =	shalt  }
0x3f: {  	_ =	shalt  }
0x40: {  	_ =	shalt  }
0x41: {  	_ =	shalt  }
0x42: {  	_ =	shalt  }
0x43: {  	_ =	shalt  }
0x44: {  	_ =	shalt  }
0x45: {  	_ =	shalt  }
0x46: {  	_ =	shalt  }
0x47: {  	_ =	shalt  }
0x48: {  	_ =	shalt  }
0x49: {  	_ =	shalt  }
0x4a: {  	_ =	shalt  }
0x4b: {  	_ =	shalt  }
0x4c: {  	_ =	shalt  }
0x4d: {  	_ =	shalt  }
0x4e: {  	_ =	shalt  }
0x4f: {  	_ =	shalt  }
0x50: {  	_ =	shalt  }
0x51: {  	_ =	shalt  }
0x52: {  	_ =	shalt  }
0x53: {  	_ =	shalt  }
0x54: {  	_ =	shalt  }
0x55: {  	_ =	shalt  }
0x56: {  	_ =	shalt  }
0x57: {  	_ =	shalt  }
0x58: {  	_ =	shalt  }
0x59: {  	_ =	shalt  }
0x5a: {  	_ =	shalt  }
0x5b: {  	_ =	shalt  }
0x5c: {  	_ =	shalt  }
0x5d: {  	_ =	shalt  }
0x5e: {  	_ =	shalt  }
0x5f: {  	_ =	shalt  }
0x60: {  	_ =	shalt  }
0x61: {  	_ =	shalt  }
0x62: {  	_ =	shalt  }
0x63: {  	_ =	shalt  }
0x64: {  	_ =	shalt  }
0x65: {  	_ =	shalt  }
0x66: {  	_ =	shalt  }
0x67: {  	_ =	shalt  }
0x68: {  	_ =	shalt  }
0x69: {  	_ =	shalt  }
0x6a: {  	_ =	shalt  }
0x6b: {  	_ =	shalt  }
0x6c: {  	_ =	shalt  }
0x6d: {  	_ =	shalt  }
0x6e: {  	_ =	shalt  }
0x6f: {  	_ =	shalt  }
0x70: {  	_ =	shalt  }
0x71: {  	_ =	shalt  }
0x72: {  	_ =	shalt  }
0x73: {  	_ =	shalt  }
0x74: {  	_ =	shalt  }
0x75: {  	_ =	shalt  }
0x76: {  	_ =	shalt  }
0x77: {  	_ =	shalt  }
0x78: {  	_ =	shalt  }
0x79: {  	_ =	shalt  }
0x7a: {  	_ =	shalt  }
0x7b: {  	_ =	shalt  }
0x7c: {  	_ =	shalt  }
0x7d: {  	_ =	shalt  }
0x7e: {  	_ =	shalt  }
0x7f: {  	_ =	shalt  }
0x80: {  	_ =	shalt  }
0x81: {  	_ =	shalt  }
0x82: {  	_ =	shalt  }
0x83: {  	_ =	shalt  }
0x84: {  	_ =	shalt  }
0x85: {  	_ =	shalt  }
0x86: {  	_ =	shalt  }
0x87: {  	_ =	shalt  }
.Lfunc_end0:
.L_simem_size_0:
called_computation_lowered:
.L_overlay_start_0:
0x88: {  	s2 =	sld [smem:$0x3FD9]  }
0x89: {  	s3 =	sld [smem:$0x3FFE];
	_ =	sdelay $0x1  }
0x8a: {  	s1 =	srdreg.scid  }
0x8b: {  	s0 =	sand.u32 $0x1, s1  }
0x8c: {  	s17 =	sshll.u32 s0, $0xA;
	s2 =	sadd.s32 s3, s2  }
0x8d: {  	s2 =	sadd.s32 s2, s17  }
0x8e: {  	[smem:$0x3FC3] =	sst s2  }
0x8f: {  	_ = 	snop  }
0x90: {  	s2 =	sld [smem:$0x3FC7]  }
0x91: {  	s18 =	sld [smem:$0x3FC5];
	(tm) =	ssettm $0x1  }
0x92: {  	s4 =	sld [smem:$0x3FFB];
	_ =	sdelay $0x3  }
0x93: {  	_ =	strace s4  }
0x94: {  	s4 =	sld [smem:$0x3FFC];
	_ =	sdelay $0x3  }
0x95: {  	_ =	strace s4  }
0x96: {  	s4 =	sld [smem:$0x3FFD];
	_ =	sdelay $0x3  }
0x97: {  	_ =	strace s4  }
0x98: {  	_ =	strace $0x8FFFFFFF  }
0x99: {  	s19 =	sld [smem:$0x3FDB];
	_ =	sdelay $0x1  }
0x9a: {  	s5 =	simm.s32 $_scs_section_size  }
0x9b: {  	s6 =	simm.s32 $_size__tile_overlayer_lowered;
	s7 =	simm.s32 $_tile_overlayer_lowered  }
0x9c: {  	s22 =	simm.s32 $0x1BFF;
	s21 =	sshll.u32 s7, $0x1;
	s4 =	sadd.s32 s5, s19  }
0x9d: {  	s8 =	simm.s32 $0x0;
	s20 =	sshll.u32 s6, $0x1;
	s6 =	sadd.s32 s21, s4  }
0x9e: {  	[timem:s8], [sflag:s22] =	dma.local [hbm:s6], s20  }
0x9f: {  	_ =	swait.ge [sflag:s22], s20  }
0xa0: {  	s5 =	ssub.s32 $0x0, s20;
	[sflag:s22] =	ssyncset.done $0x0  }
0xa1: {  	[sflag:s22] =	ssyncadd.s32 s5;
	_ =	sdelay $0x1  }
0xa2: {  	s23 =	simm.s32 $0x1B8B  }
0xa3: {  	_ =	swait.ge [sflag:s23], $0x1  }
0xa4: {  	[sflag:s23] =	ssyncset.done $0x0  }
0xa5: {  	s25 =	simm.s32 $0x1B8E;
	s24 =	sld [smem:$0x3FFE];
	[sflag:s23] =	ssyncadd.s32 $0xFFFFFFFF  }
0xa6: {  	s26 =	simm.s32 $execute0_lowered;
	[smem:$0x3FD2] =	sst s25  }
0xa7: {  	s6 =	sshll.u32 s26, $0x1;
	_ =	strace $0x80000046;
	[dreg:$0x1] =	wrdreg $0xFFFFFFFF  }
0xa8: {  	s28 =	simm.s32 $_size_execute0_lowered;
	s4 =	sadd.s32 s4, s6;
	[dreg:$0x0] =	wrdreg $0x0  }
0xa9: {  	s6 =	sshll.u32 s28, $0x1;
	[dreg:$0x2] =	wrdreg s4  }
0xaa: {  	[dreg:$0x3] =	wrdreg s6  }
0xab: {  	[dreg:$0x4] =	wrdreg $0xC0  }
0xac: {  	_ =	task [dreg:s8], $0x5FFFF  }
0xad: {  	[dreg:$0x1] =	wrdreg $0xFFFFFFFF  }
0xae: {  	[dreg:$0x0] =	wrdreg $0x60  }
0xaf: {  	[dreg:$0x2] =	wrdreg s2  }
0xb0: {  	[dreg:$0x3] =	wrdreg s18  }
0xb1: {  	[dreg:$0x4] =	wrdreg s24  }
0xb2: {  	[dreg:$0x5] =	wrdreg $0x9  }
0xb3: {  	_ =	task.clear_ibuf [dreg:s8], $0x6FFFF;
	_ =	strace $0x90000046  }
0xb4: {  	s29 =	simm.s32 $0x9;
	_ =	strace $0x80000048  }
0xb5: {  	_ =	swait.ge [sflag:s29], $0x1  }
0xb6: {  	[sflag:s29] =	ssyncadd.s32 $0xFFFFFFFF  }
0xb7: {  	_ =	strace $0x90000048  }
0xb8: {  	_ =	sfence  }
0xb9: {  	s30 =	sld [smem:$0x0];
	_ =	sdelay $0x2  }
0xba: {  	s31 =	sshll.u32 s1, $0xD;
	s1 =	sshrl.u32 s1, $0x2  }
0xbb: {  	s3 =	sand.u32 $0x4000, s31;
	s1 =	sadd.s32 s1, s30  }
0xbc: {  	s0 =	sor.u32 s3, s0;
	s1 =	sshll.u32 s1, $0x11  }
0xbd: {  	s0 =	sor.u32 s1, s0  }
0xbe: {  	s0 =	sadd.s32 $0x8F2B, s0  }
0xbf: {  	[sflag:s0] =	ssyncadd.remote.s32 $0x1  }
0xc0: {  	_ =	sfence.sel $0xFFFF  }
0xc1: {  	[dreg:$0x0] =	wrdreg $0xFFFFFFFF;
	(pc) =	sbr.abs _section_cstart, $3  }
0xc2: {  	[dreg:$0x1] =	wrdreg $0xFFFFFFFF  }
0xc3: {  	_ =	task.clear_ibuf [dreg:s8], $0x2FFFF;
	_ =	strace $0x9FFFFFFF  }
0xc4: {  	(tm) =	ssettm $0x7FFFFFFF  }
0xc5: {  	_ =	shalt  }
tec
execute0_lowered:
.L_overlay_start_1:
0x0: {  	(tag) =	ssettag $0x1  }
0x1: {  	s4 =	rddreg [dreg:$0x0]  }
0x2: {  	s2 =	rddreg [dreg:$0x1]  }
0x3: {  	s14 =	rddreg [dreg:$0x2];
	s3 =	srdreg.scid  }
0x4: {  	s0 =	rddreg [dreg:$0x3];
	s1 =	stileid.u32;
	s15 =	sand.u32 $0x1, s3  }
0x5: {  	s3 =	simm.s32 $0x0;
	s5 =	sshll.u32 s1, $0x7;
	s6 =	sshll.u32 s15, $0x6  }
0x6: {  	[smem:$0x7FF] =	sst s3;
	s16 =	sor.u32 s6, s5  }
0x7: {  	_ =	strace $0x80000047;
	s5 =	sadd.s32 s4, s16;
	s4 =	simm.s32 $0x2  }
0x8: {  	[tilespmem:s3], [sflag:$0x2] =	stream.linear.gather [hbm4b:s5+s3], $0x200, $0x38;
	[tilespmem:$0x400] =	vst v63  }
0x9: {  	_ =	swait.ge [sflag:s4], $0x200  }
0xa: {  	[sflag:s4] =	ssyncset.done $0x0  }
0xb: {  	s7 =	simm.s32 $0x200;
	s6 =	simm.s32 $0x80;
	[sflag:s4] =	ssyncadd.s32 $0xFFFFFE00  }
0xc: {  	[tilespmem:s7], [sflag:$0x1] =	stream.indirect.gather [hbm4b:s2+s6], $0x1, s3, s6, $0xb8;
	[tilespmem:$0x400] =	vst v63  }
0xd: {  	s8 =	simm.s32 $0x280  }
0xe: {  	[tilespmem:s8], [sflag:$0x1] =	stream.indirect.gather [hbm4b:s2+s6], $0x1, s6, s6, $0xb8;
	[tilespmem:$0x400] =	vst v63  }
0xf: {  	s9 =	simm.s32 $0x100;
	s10 =	simm.s32 $0x300  }
0x10: {  	[tilespmem:s10], [sflag:$0x1] =	stream.indirect.gather [hbm4b:s2+s6], $0x1, s9, s6, $0xb8;
	[tilespmem:$0x400] =	vst v63  }
0x11: {  	s11 =	simm.s32 $0x180;
	s12 =	simm.s32 $0x380;
	s13 =	simm.s32 $0x1  }
0x12: {  	[tilespmem:s12], [sflag:$0x1] =	stream.indirect.gather [hbm4b:s2+s6], $0x1, s11, s6, $0xb8;
	[tilespmem:$0x400] =	vst v63  }
0x13: {  	_ =	swait.ge [sflag:s13], $0x80  }
0x14: {  	[sflag:s13] =	ssyncset.done $0x0  }
0x15: {  	[sflag:s13] =	ssyncadd.s32 $0xFFFFFF80  }
0x16: {  	_ =	swait.ge [sflag:s13], $0x80  }
0x17: {  	[sflag:s13] =	ssyncset.done $0x0  }
0x18: {  	s15 =	ssub.s32 $0x2, s15;
	[sflag:s13] =	ssyncadd.s32 $0xFFFFFF80  }
0x19: {  	s17 =	sshrl.u32 s15, $0x1;
	_ =	swait.ge [sflag:s13], $0x80  }
0x1a: {  	s15 =	ssub.s32 s15, s17;
	[sflag:s13] =	ssyncset.done $0x0  }
0x1b: {  	s15 =	smax.u32 s15, $0x1;
	[sflag:s13] =	ssyncadd.s32 $0xFFFFFF80  }
0x1c: {  	p0 =	sne.s32 s15, $0x1;
	_ =	swait.ge [sflag:s13], $0x80  }
.Ltmp0:
0x1d: {  	s14 =	sadd.s32 s16, s14;
	[sflag:s13] =	ssyncset.done $0x0;
	(pc) =	sbr.rel @!p0 .LBB2_2-.Ltmp0, $4  }
0x1e: {  	s14 =	sadd.s32 $0xC00, s14;
	[sflag:s13] =	ssyncadd.s32 $0xFFFFFF80  }
0x1f: {  	[hbm4b:s14+s3] =	stream.linear.scatter [tilespmem:s7], [sflag:$0x2], $0x200, $0x38;
	[tilespmem:$0x400] =	vst v63  }
0x20: {  	_ =	swait.ge [sflag:s4], $0x200  }
0x21: {  	s15 =	sadd.s32 $0xFFFFFFFF, s15;
	[sflag:s4] =	ssyncset.done $0x0  }
.LBB2_1:
0x22: {  	p0 =	sne.s32 s15, $0x1;
	s15 =	sadd.s32 $0xFFFFFFFF, s15;
	[sflag:s4] =	ssyncadd.s32 $0xFFFFFE00  }
0x23: {  	[tilespmem:s3], [sflag:$0x2] =	stream.linear.gather [hbm4b:s5+s3], $0x200, $0x38;
	[tilespmem:$0x400] =	vst v63  }
0x24: {  	_ =	swait.ge [sflag:s4], $0x200  }
0x25: {  	[sflag:s4] =	ssyncset.done $0x0  }
0x26: {  	[sflag:s4] =	ssyncadd.s32 $0xFFFFFE00  }
0x27: {  	[tilespmem:s7], [sflag:$0x1] =	stream.indirect.gather [hbm4b:s2+s6], $0x1, s3, s6, $0xb8;
	[tilespmem:$0x400] =	vst v63  }
0x28: {  	_ = 	snop  }
0x29: {  	[tilespmem:s8], [sflag:$0x1] =	stream.indirect.gather [hbm4b:s2+s6], $0x1, s6, s6, $0xb8;
	[tilespmem:$0x400] =	vst v63  }
0x2a: {  	_ = 	snop  }
0x2b: {  	[tilespmem:s10], [sflag:$0x1] =	stream.indirect.gather [hbm4b:s2+s6], $0x1, s9, s6, $0xb8;
	[tilespmem:$0x400] =	vst v63  }
0x2c: {  	_ = 	snop  }
0x2d: {  	[tilespmem:s12], [sflag:$0x1] =	stream.indirect.gather [hbm4b:s2+s6], $0x1, s11, s6, $0xb8;
	[tilespmem:$0x400] =	vst v63  }
0x2e: {  	_ =	swait.ge [sflag:s13], $0x80  }
0x2f: {  	[sflag:s13] =	ssyncset.done $0x0  }
0x30: {  	[sflag:s13] =	ssyncadd.s32 $0xFFFFFF80  }
0x31: {  	_ =	swait.ge [sflag:s13], $0x80  }
0x32: {  	[sflag:s13] =	ssyncset.done $0x0  }
0x33: {  	[sflag:s13] =	ssyncadd.s32 $0xFFFFFF80  }
0x34: {  	_ =	swait.ge [sflag:s13], $0x80  }
0x35: {  	[sflag:s13] =	ssyncset.done $0x0  }
0x36: {  	[sflag:s13] =	ssyncadd.s32 $0xFFFFFF80  }
0x37: {  	_ =	swait.ge [sflag:s13], $0x80  }
.Ltmp1:
0x38: {  	[sflag:s13] =	ssyncset.done $0x0;
	(pc) =	sbr.rel @p0 .LBB2_1-.Ltmp1, $4  }
0x39: {  	[sflag:s13] =	ssyncadd.s32 $0xFFFFFF80  }
0x3a: {  	[hbm4b:s14+s3] =	stream.linear.scatter [tilespmem:s7], [sflag:$0x2], $0x200, $0x38;
	[tilespmem:$0x400] =	vst v63  }
0x3b: {  	_ =	swait.ge [sflag:s4], $0x200  }
0x3c: {  	[sflag:s4] =	ssyncset.done $0x0  }
.LBB2_2:
0x3d: {  	[sflag:s4] =	ssyncadd.s32 $0xFFFFFE00  }
0x3e: {  	_ =	sfence.sel $0x180000  }
0x3f: {  	[bflag:$0x0] =	sbarrier.arrive $0xFFFF  }
0x40: {  	p0 =	sne.s32 s1, $0x0;
	_ =	strace $0x90000047  }
0x41: {  	s0 =	sadd.s32 @!p0 $0x100000, s0;
	[bflag:$0x2] =	sbarrier.arrive $0xFFFF  }
0x42: {  	[sflag:s0] =	ssyncadd.tile.s32 @!p0 $0x1;
	_ =	shalt  }
.Lfunc_end2:
_tile_overlayer_lowered:
.L_overlay_start_2:
0x43: {  	(tag) =	ssettag $0x2  }
0x44: {  	s0 =	rddreg [dreg:$0x0];
	s2 =	stileid.u32  }
0x45: {  	s1 =	rddreg [dreg:$0x1];
	p0 =	sne.s32 s2, $0x0  }
0x46: {  	s3 =	rddreg [dreg:$0x2];
	[bflag:$0x3] =	sbarrier.arrive $0xFFFF;
	s2 =	simm.s32 @!p0 $0x1C02  }
0x47: {  	[timem:s3], [sflag:s2] =	dma.local @!p0 [hbm:s0], s1  }
0x48: {  	s0 =	simm.s32 @!p0 $0x2  }
0x49: {  	_ =	swait.ge @!p0 [sflag:s0], s1  }
0x4a: {  	s1 =	ssub.s32 @!p0 $0x0, s1;
	[sflag:s0] =	ssyncset.done @!p0 $0x0  }
0x4b: {  	[sflag:s0] =	ssyncadd.s32 @!p0 s1  }
0x4c: {  	[bflag:$0x3] =	sbarrier.arrive $0xFFFF  }
0x4d: {  	_ =	shalt  }

</sc_bundles>
